<compile_context>
chip_gen: v7x
topology: tpu7x:2x2x1
jax: 0.10.2.dev20260603
libtpu: 0.0.44.dev20260713+nightly
codegen_flags: <defaults>
</compile_context>

<pallas_src>
import functools

import jax
import jax.numpy as jnp
from jax import lax
from jax.experimental import pallas as pl
from jax.experimental.pallas import tpu as pltpu
from jax.experimental.pallas import tpu_sc as plsc

_B, _F, _V = 16384, 26, 100000
_DE, _DH = 16, 32
_RE = _F * _DE
_RH = _F * _DH
_NW = 32
_EPW = _RE // _NW
_HPW = _RH // _NW
_CH = 4096
_NCH = _B // _CH


def _ser_body(xt_hbm, table_hbm, out_hbm, n_per_w, dlog,
              idx_v, buf_v, sem, sem_o):
    wid = lax.axis_index("s") * 2 + lax.axis_index("c")

    def do_row(r):
        f = r // dlog
        pltpu.sync_copy(xt_hbm.at[f], idx_v)

        outs = [None, None]
        for c in range(_NCH):
            b = c % 2
            sl = pl.ds(c * _CH, _CH)
            if outs[b] is not None:
                outs[b].wait()
            pltpu.async_copy(table_hbm.at[r].at[idx_v.at[sl]],
                             buf_v.at[b], sem).wait()
            outs[b] = pltpu.async_copy(buf_v.at[b], out_hbm.at[r, sl], sem_o)
        for cp in outs:
            cp.wait()

    def row(t, carry):
        do_row(wid * n_per_w + t)
        return carry

    lax.fori_loop(0, n_per_w, row, 0)


@functools.partial(jax.jit, static_argnums=(2, 3, 4))
def _ser_one(xt, table_t, rows, n_per_w, dlog):
    mesh = plsc.VectorSubcoreMesh(core_axis_name="c", subcore_axis_name="s")

    def wrapped(xt_hbm, table_hbm, out_hbm, idx_v, buf_v, sem, sem_o):
        _ser_body(xt_hbm, table_hbm, out_hbm, n_per_w, dlog,
                  idx_v, buf_v, sem, sem_o)

    return pl.kernel(
        wrapped,
        out_type=jax.ShapeDtypeStruct((rows, _B), jnp.float32),
        mesh=mesh,
        scratch_types=[
            pltpu.VMEM((_B,), jnp.int32),
            pltpu.VMEM((2, _CH), jnp.float32),
            pltpu.SemaphoreType.DMA,
            pltpu.SemaphoreType.DMA,
        ],
        compiler_params=pltpu.CompilerParams(use_tc_tiling_on_sc=False),
    )(xt, table_t)


def kernel(X, easy_table, hard_table):
    xt = X.T
    easy_t = jnp.transpose(easy_table, (0, 2, 1)).reshape(_RE, _V)
    hard_t = jnp.transpose(hard_table, (0, 2, 1)).reshape(_RH, _V)
    oute_t = _ser_one(xt, easy_t, _RE, _EPW, _DE)
    outh_t = _ser_one(xt, hard_t, _RH, _HPW, _DH)
    return (oute_t.T.reshape(_B, _RE), outh_t.T.reshape(_B, _RH))

# --- scband reference (transcript-rebuilt; emitter-appended) ---
"""Pipeline reference for scband-ser-16303695855828 (READ-ONLY COPY).

The authoritative reference and input builder live on the scoring server;
editing this copy changes nothing except your own understanding.
"""

import jax, jax.numpy as jnp
import numpy as np

B = 16384
F = 26
V = 100000
D = 32  # hard embedding dim; easy = D // 2


def setup_inputs(seed: int = 0) -> dict:
    key = jax.random.key(seed)
    kx, ke, kh = jax.random.split(key, 3)
    X = jax.random.randint(kx, (B, F), 0, V, dtype=jnp.int32)
    easy_table = jax.random.normal(ke, (F, V, D // 2), dtype=jnp.float32) * 0.01
    hard_table = jax.random.normal(kh, (F, V, D), dtype=jnp.float32) * 0.01
    return {"X": X, "easy_table": easy_table, "hard_table": hard_table}


def reference(X, easy_table, hard_table):
    # SER forward: two independent FeatureEmbedding lookups over the same
    # categorical input X; easy branch uses embedding_dim//2, hard uses embedding_dim.
    # dynamic_emb_dim=True -> per-field embeddings concatenated along last dim.
    batch = X.shape[0]
    field_ids = jnp.arange(F, dtype=jnp.int32)[None, :]  # [1, F]
    easy = easy_table[field_ids, X]  # gather -> [B, F, D//2]
    hard = hard_table[field_ids, X]  # gather -> [B, F, D]
    easy_out = easy.reshape(batch, F * (D // 2))
    hard_out = hard.reshape(batch, F * D)
    return (easy_out, hard_out)

if __name__ == "__main__":
    import jax
    _d = setup_inputs()
    print(jax.jit(kernel)(*tuple(_d.values())))

</pallas_src>

<mosaic_0001>
#map = affine_map<(d0, d1) -> (0, 0)>
module attributes {stable_mosaic.version = 14 : i64} {
  func.func @wrapped(%arg0: i32, %arg1: i32, %arg2: memref<26x16384xi32, #tpu.memory_space<hbm>>, %arg3: memref<416x100000xf32, #tpu.memory_space<hbm>>, %arg4: memref<416x16384xf32, #tpu.memory_space<hbm>>, %arg5: memref<16384xi32, #tpu.memory_space<vmem>>, %arg6: memref<2x4096xf32, #tpu.memory_space<vmem>>, %arg7: memref<!tpu.dma_semaphore, #tpu.memory_space<semaphore_mem>>, %arg8: memref<!tpu.dma_semaphore, #tpu.memory_space<semaphore_mem>>) attributes {dimension_semantics = [#tpu.dimension_semantics<core_parallel>, #tpu.dimension_semantics<subcore_parallel>], iteration_bounds = array<i64: 2, 16>, scalar_prefetch = 0 : i64, scratch_operands = 4 : i64, tpu.core_type = #tpu.core_type<sc_vector_subcore>, window_params = [{transform_indices = #map}, {transform_indices = #map}, {transform_indices = #map}]} {
    %mul3A = arith.constant 2 : i32
    %mul3A_0 = arith.muli %arg1, %mul3A : i32
    %add3A = arith.addi %mul3A_0, %arg0 : i32
    %scan3A = arith.constant 0 : i32
    %scan3A_1 = arith.constant 0 : i32
    %scan3A_2 = arith.constant 13 : i32
    %scan3A_3 = arith.addi %scan3A_1, %scan3A_2 : i32
    %scan3A_4 = arith.constant 1 : i32
    scf.for %scan3A_6 = %scan3A_1 to %scan3A_3 step %scan3A_4  : i32 {
      %mul3A_7 = arith.constant 13 : i32
      %mul3A_8 = arith.muli %add3A, %mul3A_7 : i32
      %add3A_9 = arith.addi %mul3A_8, %scan3A_6 : i32
      %jit3A = arith.constant 16 : i32
      %div3A = arith.divsi %add3A_9, %jit3A : i32
      %sign3A = arith.constant 0 : i32
      %sign3A_10 = arith.cmpi sgt, %add3A_9, %sign3A : i32
      %sign3A_11 = arith.extui %sign3A_10 : i1 to i32
      %sign3A_12 = arith.constant 0 : i32
      %sign3A_13 = arith.cmpi slt, %add3A_9, %sign3A_12 : i32
      %sign3A_14 = arith.extui %sign3A_13 : i1 to i32
      %sign3A_15 = arith.subi %sign3A_11, %sign3A_14 : i32
      %sign3A_16 = arith.constant 0 : i32
      %sign3A_17 = arith.cmpi sgt, %jit3A, %sign3A_16 : i32
      %sign3A_18 = arith.extui %sign3A_17 : i1 to i32
      %sign3A_19 = arith.constant 0 : i32
      %sign3A_20 = arith.cmpi slt, %jit3A, %sign3A_19 : i32
      %sign3A_21 = arith.extui %sign3A_20 : i1 to i32
      %sign3A_22 = arith.subi %sign3A_18, %sign3A_21 : i32
      %ne3A = arith.cmpi ne, %sign3A_15, %sign3A_22 : i32
      %rem3A = arith.remsi %add3A_9, %jit3A : i32
      %ne3A_23 = arith.constant 0 : i32
      %ne3A_24 = arith.cmpi ne, %rem3A, %ne3A_23 : i32
      %and3A = arith.andi %ne3A, %ne3A_24 : i1
      %sub3A = arith.constant 1 : i32
      %sub3A_25 = arith.subi %div3A, %sub3A : i32
      %select_n3A = arith.select %and3A, %sub3A_25, %div3A : i32
      "tpu.region"() ({
        %run_scoped3A = tpu.sem_alloc : memref<!tpu.dma_semaphore, #tpu.memory_space<semaphore_mem>>
        %dma_start3A_216 = arith.constant 0 : i32
        %dma_start3A_217 = tpu.memref_slice %arg2[%select_n3A, %dma_start3A_216] : memref<26x16384xi32, #tpu.memory_space<hbm>> -> memref<1x16384xi32, #tpu.memory_space<hbm>>
        %dma_start3A_218 = tpu.memref_squeeze %dma_start3A_217 : memref<1x16384xi32, #tpu.memory_space<hbm>> -> memref<16384xi32, #tpu.memory_space<hbm>>
        %dma_start3A_219 = arith.constant 0 : i32
        %dma_start3A_220 = tpu.memref_slice %arg2[%select_n3A, %dma_start3A_219] : memref<26x16384xi32, #tpu.memory_space<hbm>> -> memref<1x16384xi32, #tpu.memory_space<hbm>>
        %dma_start3A_221 = tpu.memref_squeeze %dma_start3A_220 : memref<1x16384xi32, #tpu.memory_space<hbm>> -> memref<16384xi32, #tpu.memory_space<hbm>>
        tpu.enqueue_dma source(%dma_start3A_221 : memref<16384xi32, #tpu.memory_space<hbm>>) target(%arg5 : memref<16384xi32, #tpu.memory_space<vmem>>) target_semaphore(%run_scoped3A : memref<!tpu.dma_semaphore, #tpu.memory_space<semaphore_mem>>)
        %dma_wait3A_222 = arith.constant 0 : i32
        %dma_wait3A_223 = tpu.memref_slice %arg2[%select_n3A, %dma_wait3A_222] : memref<26x16384xi32, #tpu.memory_space<hbm>> -> memref<1x16384xi32, #tpu.memory_space<hbm>>
        %dma_wait3A_224 = tpu.memref_squeeze %dma_wait3A_223 : memref<1x16384xi32, #tpu.memory_space<hbm>> -> memref<16384xi32, #tpu.memory_space<hbm>>
        %dma_wait3A_225 = arith.constant 0 : i32
        %dma_wait3A_226 = tpu.memref_slice %arg2[%select_n3A, %dma_wait3A_225] : memref<26x16384xi32, #tpu.memory_space<hbm>> -> memref<1x16384xi32, #tpu.memory_space<hbm>>
        %dma_wait3A_227 = tpu.memref_squeeze %dma_wait3A_226 : memref<1x16384xi32, #tpu.memory_space<hbm>> -> memref<16384xi32, #tpu.memory_space<hbm>>
        tpu.wait_dma2 semaphore(%run_scoped3A : memref<!tpu.dma_semaphore, #tpu.memory_space<semaphore_mem>>) src(%dma_wait3A_227 : memref<16384xi32, #tpu.memory_space<hbm>>) dst(%arg5 : memref<16384xi32, #tpu.memory_space<vmem>>)
        tpu.yield
      }) : () -> ()
      %dma_start3A = arith.constant 0 : i32
      %dma_start3A_26 = arith.constant 0 : i32
      %dma_start3A_27 = tpu.memref_slice %arg6[%dma_start3A, %dma_start3A_26] : memref<2x4096xf32, #tpu.memory_space<vmem>> -> memref<1x4096xf32, #tpu.memory_space<vmem>>
      %dma_start3A_28 = tpu.memref_squeeze %dma_start3A_27 : memref<1x4096xf32, #tpu.memory_space<vmem>> -> memref<4096xf32, #tpu.memory_space<vmem>>
      %dma_start3A_29 = arith.constant 0 : i32
      %dma_start3A_30 = tpu.memref_slice %arg5[%dma_start3A_29] : memref<16384xi32, #tpu.memory_space<vmem>> -> memref<4096xi32, #tpu.memory_space<vmem>>
      %dma_start3A_31 = arith.constant 0 : i32
      %dma_start3A_32 = tpu.memref_slice %arg3[%add3A_9, %dma_start3A_31] : memref<416x100000xf32, #tpu.memory_space<hbm>> -> memref<1x100000xf32, #tpu.memory_space<hbm>>
      %dma_start3A_33 = tpu.memref_squeeze %dma_start3A_32 : memref<1x100000xf32, #tpu.memory_space<hbm>> -> memref<100000xf32, #tpu.memory_space<hbm>>
      %dma_start3A_34 = arith.constant 0 : i32
      %dma_start3A_35 = tpu.memref_slice %dma_start3A_33[%dma_start3A_34] : memref<100000xf32, #tpu.memory_space<hbm>> -> memref<100000xf32, #tpu.memory_space<hbm>>
      tpu.enqueue_indirect_dma source(%dma_start3A_35 : memref<100000xf32, #tpu.memory_space<hbm>>) target(%dma_start3A_28 : memref<4096xf32, #tpu.memory_space<vmem>>) offsets(%dma_start3A_30 : memref<4096xi32, #tpu.memory_space<vmem>>) semaphore(%arg7 : memref<!tpu.dma_semaphore, #tpu.memory_space<semaphore_mem>>)
      %dma_wait3A = arith.constant 0 : i32
      %dma_wait3A_36 = arith.constant 0 : i32
      %dma_wait3A_37 = tpu.memref_slice %arg6[%dma_wait3A, %dma_wait3A_36] : memref<2x4096xf32, #tpu.memory_space<vmem>> -> memref<1x4096xf32, #tpu.memory_space<vmem>>
      %dma_wait3A_38 = tpu.memref_squeeze %dma_wait3A_37 : memref<1x4096xf32, #tpu.memory_space<vmem>> -> memref<4096xf32, #tpu.memory_space<vmem>>
      %dma_wait3A_39 = arith.constant 0 : i32
      %dma_wait3A_40 = tpu.memref_slice %arg5[%dma_wait3A_39] : memref<16384xi32, #tpu.memory_space<vmem>> -> memref<4096xi32, #tpu.memory_space<vmem>>
      %dma_wait3A_41 = arith.constant 0 : i32
      %dma_wait3A_42 = tpu.memref_slice %arg3[%add3A_9, %dma_wait3A_41] : memref<416x100000xf32, #tpu.memory_space<hbm>> -> memref<1x100000xf32, #tpu.memory_space<hbm>>
      %dma_wait3A_43 = tpu.memref_squeeze %dma_wait3A_42 : memref<1x100000xf32, #tpu.memory_space<hbm>> -> memref<100000xf32, #tpu.memory_space<hbm>>
      %dma_wait3A_44 = arith.constant 0 : i32
      %dma_wait3A_45 = tpu.memref_slice %dma_wait3A_43[%dma_wait3A_44] : memref<100000xf32, #tpu.memory_space<hbm>> -> memref<100000xf32, #tpu.memory_space<hbm>>
      tpu.wait_indirect_dma semaphore(%arg7 : memref<!tpu.dma_semaphore, #tpu.memory_space<semaphore_mem>>) src(%dma_wait3A_45 : memref<100000xf32, #tpu.memory_space<hbm>>) dst(%dma_wait3A_38 : memref<4096xf32, #tpu.memory_space<vmem>>)
      %dma_start3A_46 = arith.constant 0 : i32
      %dma_start3A_47 = arith.constant 0 : i32
      %dma_start3A_48 = tpu.memref_slice %arg6[%dma_start3A_46, %dma_start3A_47] : memref<2x4096xf32, #tpu.memory_space<vmem>> -> memref<1x4096xf32, #tpu.memory_space<vmem>>
      %dma_start3A_49 = tpu.memref_squeeze %dma_start3A_48 : memref<1x4096xf32, #tpu.memory_space<vmem>> -> memref<4096xf32, #tpu.memory_space<vmem>>
      %dma_start3A_50 = arith.constant 0 : i32
      %dma_start3A_51 = tpu.memref_slice %arg4[%add3A_9, %dma_start3A_50] : memref<416x16384xf32, #tpu.memory_space<hbm>> -> memref<1x4096xf32, #tpu.memory_space<hbm>>
      %dma_start3A_52 = tpu.memref_squeeze %dma_start3A_51 : memref<1x4096xf32, #tpu.memory_space<hbm>> -> memref<4096xf32, #tpu.memory_space<hbm>>
      %dma_start3A_53 = arith.constant 0 : i32
      %dma_start3A_54 = tpu.memref_slice %arg4[%add3A_9, %dma_start3A_53] : memref<416x16384xf32, #tpu.memory_space<hbm>> -> memref<1x4096xf32, #tpu.memory_space<hbm>>
      %dma_start3A_55 = tpu.memref_squeeze %dma_start3A_54 : memref<1x4096xf32, #tpu.memory_space<hbm>> -> memref<4096xf32, #tpu.memory_space<hbm>>
      %dma_start3A_56 = arith.constant 0 : i32
      %dma_start3A_57 = tpu.memref_slice %arg6[%dma_start3A_46, %dma_start3A_56] : memref<2x4096xf32, #tpu.memory_space<vmem>> -> memref<1x4096xf32, #tpu.memory_space<vmem>>
      %dma_start3A_58 = tpu.memref_squeeze %dma_start3A_57 : memref<1x4096xf32, #tpu.memory_space<vmem>> -> memref<4096xf32, #tpu.memory_space<vmem>>
      tpu.enqueue_dma source(%dma_start3A_58 : memref<4096xf32, #tpu.memory_space<vmem>>) target(%dma_start3A_55 : memref<4096xf32, #tpu.memory_space<hbm>>) target_semaphore(%arg8 : memref<!tpu.dma_semaphore, #tpu.memory_space<semaphore_mem>>)
      %dma_start3A_59 = arith.constant 1 : i32
      %dma_start3A_60 = arith.constant 0 : i32
      %dma_start3A_61 = tpu.memref_slice %arg6[%dma_start3A_59, %dma_start3A_60] : memref<2x4096xf32, #tpu.memory_space<vmem>> -> memref<1x4096xf32, #tpu.memory_space<vmem>>
      %dma_start3A_62 = tpu.memref_squeeze %dma_start3A_61 : memref<1x4096xf32, #tpu.memory_space<vmem>> -> memref<4096xf32, #tpu.memory_space<vmem>>
      %dma_start3A_63 = arith.constant 4096 : i32
      %dma_start3A_64 = tpu.memref_slice %arg5[%dma_start3A_63] : memref<16384xi32, #tpu.memory_space<vmem>> -> memref<4096xi32, #tpu.memory_space<vmem>>
      %dma_start3A_65 = arith.constant 0 : i32
      %dma_start3A_66 = tpu.memref_slice %arg3[%add3A_9, %dma_start3A_65] : memref<416x100000xf32, #tpu.memory_space<hbm>> -> memref<1x100000xf32, #tpu.memory_space<hbm>>
      %dma_start3A_67 = tpu.memref_squeeze %dma_start3A_66 : memref<1x100000xf32, #tpu.memory_space<hbm>> -> memref<100000xf32, #tpu.memory_space<hbm>>
      %dma_start3A_68 = arith.constant 0 : i32
      %dma_start3A_69 = tpu.memref_slice %dma_start3A_67[%dma_start3A_68] : memref<100000xf32, #tpu.memory_space<hbm>> -> memref<100000xf32, #tpu.memory_space<hbm>>
      tpu.enqueue_indirect_dma source(%dma_start3A_69 : memref<100000xf32, #tpu.memory_space<hbm>>) target(%dma_start3A_62 : memref<4096xf32, #tpu.memory_space<vmem>>) offsets(%dma_start3A_64 : memref<4096xi32, #tpu.memory_space<vmem>>) semaphore(%arg7 : memref<!tpu.dma_semaphore, #tpu.memory_space<semaphore_mem>>)
      %dma_wait3A_70 = arith.constant 1 : i32
      %dma_wait3A_71 = arith.constant 0 : i32
      %dma_wait3A_72 = tpu.memref_slice %arg6[%dma_wait3A_70, %dma_wait3A_71] : memref<2x4096xf32, #tpu.memory_space<vmem>> -> memref<1x4096xf32, #tpu.memory_space<vmem>>
      %dma_wait3A_73 = tpu.memref_squeeze %dma_wait3A_72 : memref<1x4096xf32, #tpu.memory_space<vmem>> -> memref<4096xf32, #tpu.memory_space<vmem>>
      %dma_wait3A_74 = arith.constant 4096 : i32
      %dma_wait3A_75 = tpu.memref_slice %arg5[%dma_wait3A_74] : memref<16384xi32, #tpu.memory_space<vmem>> -> memref<4096xi32, #tpu.memory_space<vmem>>
      %dma_wait3A_76 = arith.constant 0 : i32
      %dma_wait3A_77 = tpu.memref_slice %arg3[%add3A_9, %dma_wait3A_76] : memref<416x100000xf32, #tpu.memory_space<hbm>> -> memref<1x100000xf32, #tpu.memory_space<hbm>>
      %dma_wait3A_78 = tpu.memref_squeeze %dma_wait3A_77 : memref<1x100000xf32, #tpu.memory_space<hbm>> -> memref<100000xf32, #tpu.memory_space<hbm>>
      %dma_wait3A_79 = arith.constant 0 : i32
      %dma_wait3A_80 = tpu.memref_slice %dma_wait3A_78[%dma_wait3A_79] : memref<100000xf32, #tpu.memory_space<hbm>> -> memref<100000xf32, #tpu.memory_space<hbm>>
      tpu.wait_indirect_dma semaphore(%arg7 : memref<!tpu.dma_semaphore, #tpu.memory_space<semaphore_mem>>) src(%dma_wait3A_80 : memref<100000xf32, #tpu.memory_space<hbm>>) dst(%dma_wait3A_73 : memref<4096xf32, #tpu.memory_space<vmem>>)
      %dma_start3A_81 = arith.constant 1 : i32
      %dma_start3A_82 = arith.constant 0 : i32
      %dma_start3A_83 = tpu.memref_slice %arg6[%dma_start3A_81, %dma_start3A_82] : memref<2x4096xf32, #tpu.memory_space<vmem>> -> memref<1x4096xf32, #tpu.memory_space<vmem>>
      %dma_start3A_84 = tpu.memref_squeeze %dma_start3A_83 : memref<1x4096xf32, #tpu.memory_space<vmem>> -> memref<4096xf32, #tpu.memory_space<vmem>>
      %dma_start3A_85 = arith.constant 4096 : i32
      %dma_start3A_86 = tpu.memref_slice %arg4[%add3A_9, %dma_start3A_85] : memref<416x16384xf32, #tpu.memory_space<hbm>> -> memref<1x4096xf32, #tpu.memory_space<hbm>>
      %dma_start3A_87 = tpu.memref_squeeze %dma_start3A_86 : memref<1x4096xf32, #tpu.memory_space<hbm>> -> memref<4096xf32, #tpu.memory_space<hbm>>
      %dma_start3A_88 = arith.constant 4096 : i32
      %dma_start3A_89 = tpu.memref_slice %arg4[%add3A_9, %dma_start3A_88] : memref<416x16384xf32, #tpu.memory_space<hbm>> -> memref<1x4096xf32, #tpu.memory_space<hbm>>
      %dma_start3A_90 = tpu.memref_squeeze %dma_start3A_89 : memref<1x4096xf32, #tpu.memory_space<hbm>> -> memref<4096xf32, #tpu.memory_space<hbm>>
      %dma_start3A_91 = arith.constant 0 : i32
      %dma_start3A_92 = tpu.memref_slice %arg6[%dma_start3A_81, %dma_start3A_91] : memref<2x4096xf32, #tpu.memory_space<vmem>> -> memref<1x4096xf32, #tpu.memory_space<vmem>>
      %dma_start3A_93 = tpu.memref_squeeze %dma_start3A_92 : memref<1x4096xf32, #tpu.memory_space<vmem>> -> memref<4096xf32, #tpu.memory_space<vmem>>
      tpu.enqueue_dma source(%dma_start3A_93 : memref<4096xf32, #tpu.memory_space<vmem>>) target(%dma_start3A_90 : memref<4096xf32, #tpu.memory_space<hbm>>) target_semaphore(%arg8 : memref<!tpu.dma_semaphore, #tpu.memory_space<semaphore_mem>>)
      %dma_wait3A_94 = arith.constant 0 : i32
      %dma_wait3A_95 = arith.constant 0 : i32
      %dma_wait3A_96 = tpu.memref_slice %arg6[%dma_wait3A_94, %dma_wait3A_95] : memref<2x4096xf32, #tpu.memory_space<vmem>> -> memref<1x4096xf32, #tpu.memory_space<vmem>>
      %dma_wait3A_97 = tpu.memref_squeeze %dma_wait3A_96 : memref<1x4096xf32, #tpu.memory_space<vmem>> -> memref<4096xf32, #tpu.memory_space<vmem>>
      %dma_wait3A_98 = arith.constant 0 : i32
      %dma_wait3A_99 = tpu.memref_slice %arg4[%add3A_9, %dma_wait3A_98] : memref<416x16384xf32, #tpu.memory_space<hbm>> -> memref<1x4096xf32, #tpu.memory_space<hbm>>
      %dma_wait3A_100 = tpu.memref_squeeze %dma_wait3A_99 : memref<1x4096xf32, #tpu.memory_space<hbm>> -> memref<4096xf32, #tpu.memory_space<hbm>>
      %dma_wait3A_101 = arith.constant 0 : i32
      %dma_wait3A_102 = tpu.memref_slice %arg4[%add3A_9, %dma_wait3A_101] : memref<416x16384xf32, #tpu.memory_space<hbm>> -> memref<1x4096xf32, #tpu.memory_space<hbm>>
      %dma_wait3A_103 = tpu.memref_squeeze %dma_wait3A_102 : memref<1x4096xf32, #tpu.memory_space<hbm>> -> memref<4096xf32, #tpu.memory_space<hbm>>
      %dma_wait3A_104 = arith.constant 0 : i32
      %dma_wait3A_105 = tpu.memref_slice %arg6[%dma_wait3A_94, %dma_wait3A_104] : memref<2x4096xf32, #tpu.memory_space<vmem>> -> memref<1x4096xf32, #tpu.memory_space<vmem>>
      %dma_wait3A_106 = tpu.memref_squeeze %dma_wait3A_105 : memref<1x4096xf32, #tpu.memory_space<vmem>> -> memref<4096xf32, #tpu.memory_space<vmem>>
      tpu.wait_dma2 semaphore(%arg8 : memref<!tpu.dma_semaphore, #tpu.memory_space<semaphore_mem>>) src(%dma_wait3A_106 : memref<4096xf32, #tpu.memory_space<vmem>>) dst(%dma_wait3A_103 : memref<4096xf32, #tpu.memory_space<hbm>>)
      %dma_start3A_107 = arith.constant 0 : i32
      %dma_start3A_108 = arith.constant 0 : i32
      %dma_start3A_109 = tpu.memref_slice %arg6[%dma_start3A_107, %dma_start3A_108] : memref<2x4096xf32, #tpu.memory_space<vmem>> -> memref<1x4096xf32, #tpu.memory_space<vmem>>
      %dma_start3A_110 = tpu.memref_squeeze %dma_start3A_109 : memref<1x4096xf32, #tpu.memory_space<vmem>> -> memref<4096xf32, #tpu.memory_space<vmem>>
      %dma_start3A_111 = arith.constant 8192 : i32
      %dma_start3A_112 = tpu.memref_slice %arg5[%dma_start3A_111] : memref<16384xi32, #tpu.memory_space<vmem>> -> memref<4096xi32, #tpu.memory_space<vmem>>
      %dma_start3A_113 = arith.constant 0 : i32
      %dma_start3A_114 = tpu.memref_slice %arg3[%add3A_9, %dma_start3A_113] : memref<416x100000xf32, #tpu.memory_space<hbm>> -> memref<1x100000xf32, #tpu.memory_space<hbm>>
      %dma_start3A_115 = tpu.memref_squeeze %dma_start3A_114 : memref<1x100000xf32, #tpu.memory_space<hbm>> -> memref<100000xf32, #tpu.memory_space<hbm>>
      %dma_start3A_116 = arith.constant 0 : i32
      %dma_start3A_117 = tpu.memref_slice %dma_start3A_115[%dma_start3A_116] : memref<100000xf32, #tpu.memory_space<hbm>> -> memref<100000xf32, #tpu.memory_space<hbm>>
      tpu.enqueue_indirect_dma source(%dma_start3A_117 : memref<100000xf32, #tpu.memory_space<hbm>>) target(%dma_start3A_110 : memref<4096xf32, #tpu.memory_space<vmem>>) offsets(%dma_start3A_112 : memref<4096xi32, #tpu.memory_space<vmem>>) semaphore(%arg7 : memref<!tpu.dma_semaphore, #tpu.memory_space<semaphore_mem>>)
      %dma_wait3A_118 = arith.constant 0 : i32
      %dma_wait3A_119 = arith.constant 0 : i32
      %dma_wait3A_120 = tpu.memref_slice %arg6[%dma_wait3A_118, %dma_wait3A_119] : memref<2x4096xf32, #tpu.memory_space<vmem>> -> memref<1x4096xf32, #tpu.memory_space<vmem>>
      %dma_wait3A_121 = tpu.memref_squeeze %dma_wait3A_120 : memref<1x4096xf32, #tpu.memory_space<vmem>> -> memref<4096xf32, #tpu.memory_space<vmem>>
      %dma_wait3A_122 = arith.constant 8192 : i32
      %dma_wait3A_123 = tpu.memref_slice %arg5[%dma_wait3A_122] : memref<16384xi32, #tpu.memory_space<vmem>> -> memref<4096xi32, #tpu.memory_space<vmem>>
      %dma_wait3A_124 = arith.constant 0 : i32
      %dma_wait3A_125 = tpu.memref_slice %arg3[%add3A_9, %dma_wait3A_124] : memref<416x100000xf32, #tpu.memory_space<hbm>> -> memref<1x100000xf32, #tpu.memory_space<hbm>>
      %dma_wait3A_126 = tpu.memref_squeeze %dma_wait3A_125 : memref<1x100000xf32, #tpu.memory_space<hbm>> -> memref<100000xf32, #tpu.memory_space<hbm>>
      %dma_wait3A_127 = arith.constant 0 : i32
      %dma_wait3A_128 = tpu.memref_slice %dma_wait3A_126[%dma_wait3A_127] : memref<100000xf32, #tpu.memory_space<hbm>> -> memref<100000xf32, #tpu.memory_space<hbm>>
      tpu.wait_indirect_dma semaphore(%arg7 : memref<!tpu.dma_semaphore, #tpu.memory_space<semaphore_mem>>) src(%dma_wait3A_128 : memref<100000xf32, #tpu.memory_space<hbm>>) dst(%dma_wait3A_121 : memref<4096xf32, #tpu.memory_space<vmem>>)
      %dma_start3A_129 = arith.constant 0 : i32
      %dma_start3A_130 = arith.constant 0 : i32
      %dma_start3A_131 = tpu.memref_slice %arg6[%dma_start3A_129, %dma_start3A_130] : memref<2x4096xf32, #tpu.memory_space<vmem>> -> memref<1x4096xf32, #tpu.memory_space<vmem>>
      %dma_start3A_132 = tpu.memref_squeeze %dma_start3A_131 : memref<1x4096xf32, #tpu.memory_space<vmem>> -> memref<4096xf32, #tpu.memory_space<vmem>>
      %dma_start3A_133 = arith.constant 8192 : i32
      %dma_start3A_134 = tpu.memref_slice %arg4[%add3A_9, %dma_start3A_133] : memref<416x16384xf32, #tpu.memory_space<hbm>> -> memref<1x4096xf32, #tpu.memory_space<hbm>>
      %dma_start3A_135 = tpu.memref_squeeze %dma_start3A_134 : memref<1x4096xf32, #tpu.memory_space<hbm>> -> memref<4096xf32, #tpu.memory_space<hbm>>
      %dma_start3A_136 = arith.constant 8192 : i32
      %dma_start3A_137 = tpu.memref_slice %arg4[%add3A_9, %dma_start3A_136] : memref<416x16384xf32, #tpu.memory_space<hbm>> -> memref<1x4096xf32, #tpu.memory_space<hbm>>
      %dma_start3A_138 = tpu.memref_squeeze %dma_start3A_137 : memref<1x4096xf32, #tpu.memory_space<hbm>> -> memref<4096xf32, #tpu.memory_space<hbm>>
      %dma_start3A_139 = arith.constant 0 : i32
      %dma_start3A_140 = tpu.memref_slice %arg6[%dma_start3A_129, %dma_start3A_139] : memref<2x4096xf32, #tpu.memory_space<vmem>> -> memref<1x4096xf32, #tpu.memory_space<vmem>>
      %dma_start3A_141 = tpu.memref_squeeze %dma_start3A_140 : memref<1x4096xf32, #tpu.memory_space<vmem>> -> memref<4096xf32, #tpu.memory_space<vmem>>
      tpu.enqueue_dma source(%dma_start3A_141 : memref<4096xf32, #tpu.memory_space<vmem>>) target(%dma_start3A_138 : memref<4096xf32, #tpu.memory_space<hbm>>) target_semaphore(%arg8 : memref<!tpu.dma_semaphore, #tpu.memory_space<semaphore_mem>>)
      %dma_wait3A_142 = arith.constant 1 : i32
      %dma_wait3A_143 = arith.constant 0 : i32
      %dma_wait3A_144 = tpu.memref_slice %arg6[%dma_wait3A_142, %dma_wait3A_143] : memref<2x4096xf32, #tpu.memory_space<vmem>> -> memref<1x4096xf32, #tpu.memory_space<vmem>>
      %dma_wait3A_145 = tpu.memref_squeeze %dma_wait3A_144 : memref<1x4096xf32, #tpu.memory_space<vmem>> -> memref<4096xf32, #tpu.memory_space<vmem>>
      %dma_wait3A_146 = arith.constant 4096 : i32
      %dma_wait3A_147 = tpu.memref_slice %arg4[%add3A_9, %dma_wait3A_146] : memref<416x16384xf32, #tpu.memory_space<hbm>> -> memref<1x4096xf32, #tpu.memory_space<hbm>>
      %dma_wait3A_148 = tpu.memref_squeeze %dma_wait3A_147 : memref<1x4096xf32, #tpu.memory_space<hbm>> -> memref<4096xf32, #tpu.memory_space<hbm>>
      %dma_wait3A_149 = arith.constant 4096 : i32
      %dma_wait3A_150 = tpu.memref_slice %arg4[%add3A_9, %dma_wait3A_149] : memref<416x16384xf32, #tpu.memory_space<hbm>> -> memref<1x4096xf32, #tpu.memory_space<hbm>>
      %dma_wait3A_151 = tpu.memref_squeeze %dma_wait3A_150 : memref<1x4096xf32, #tpu.memory_space<hbm>> -> memref<4096xf32, #tpu.memory_space<hbm>>
      %dma_wait3A_152 = arith.constant 0 : i32
      %dma_wait3A_153 = tpu.memref_slice %arg6[%dma_wait3A_142, %dma_wait3A_152] : memref<2x4096xf32, #tpu.memory_space<vmem>> -> memref<1x4096xf32, #tpu.memory_space<vmem>>
      %dma_wait3A_154 = tpu.memref_squeeze %dma_wait3A_153 : memref<1x4096xf32, #tpu.memory_space<vmem>> -> memref<4096xf32, #tpu.memory_space<vmem>>
      tpu.wait_dma2 semaphore(%arg8 : memref<!tpu.dma_semaphore, #tpu.memory_space<semaphore_mem>>) src(%dma_wait3A_154 : memref<4096xf32, #tpu.memory_space<vmem>>) dst(%dma_wait3A_151 : memref<4096xf32, #tpu.memory_space<hbm>>)
      %dma_start3A_155 = arith.constant 1 : i32
      %dma_start3A_156 = arith.constant 0 : i32
      %dma_start3A_157 = tpu.memref_slice %arg6[%dma_start3A_155, %dma_start3A_156] : memref<2x4096xf32, #tpu.memory_space<vmem>> -> memref<1x4096xf32, #tpu.memory_space<vmem>>
      %dma_start3A_158 = tpu.memref_squeeze %dma_start3A_157 : memref<1x4096xf32, #tpu.memory_space<vmem>> -> memref<4096xf32, #tpu.memory_space<vmem>>
      %dma_start3A_159 = arith.constant 12288 : i32
      %dma_start3A_160 = tpu.memref_slice %arg5[%dma_start3A_159] : memref<16384xi32, #tpu.memory_space<vmem>> -> memref<4096xi32, #tpu.memory_space<vmem>>
      %dma_start3A_161 = arith.constant 0 : i32
      %dma_start3A_162 = tpu.memref_slice %arg3[%add3A_9, %dma_start3A_161] : memref<416x100000xf32, #tpu.memory_space<hbm>> -> memref<1x100000xf32, #tpu.memory_space<hbm>>
      %dma_start3A_163 = tpu.memref_squeeze %dma_start3A_162 : memref<1x100000xf32, #tpu.memory_space<hbm>> -> memref<100000xf32, #tpu.memory_space<hbm>>
      %dma_start3A_164 = arith.constant 0 : i32
      %dma_start3A_165 = tpu.memref_slice %dma_start3A_163[%dma_start3A_164] : memref<100000xf32, #tpu.memory_space<hbm>> -> memref<100000xf32, #tpu.memory_space<hbm>>
      tpu.enqueue_indirect_dma source(%dma_start3A_165 : memref<100000xf32, #tpu.memory_space<hbm>>) target(%dma_start3A_158 : memref<4096xf32, #tpu.memory_space<vmem>>) offsets(%dma_start3A_160 : memref<4096xi32, #tpu.memory_space<vmem>>) semaphore(%arg7 : memref<!tpu.dma_semaphore, #tpu.memory_space<semaphore_mem>>)
      %dma_wait3A_166 = arith.constant 1 : i32
      %dma_wait3A_167 = arith.constant 0 : i32
      %dma_wait3A_168 = tpu.memref_slice %arg6[%dma_wait3A_166, %dma_wait3A_167] : memref<2x4096xf32, #tpu.memory_space<vmem>> -> memref<1x4096xf32, #tpu.memory_space<vmem>>
      %dma_wait3A_169 = tpu.memref_squeeze %dma_wait3A_168 : memref<1x4096xf32, #tpu.memory_space<vmem>> -> memref<4096xf32, #tpu.memory_space<vmem>>
      %dma_wait3A_170 = arith.constant 12288 : i32
      %dma_wait3A_171 = tpu.memref_slice %arg5[%dma_wait3A_170] : memref<16384xi32, #tpu.memory_space<vmem>> -> memref<4096xi32, #tpu.memory_space<vmem>>
      %dma_wait3A_172 = arith.constant 0 : i32
      %dma_wait3A_173 = tpu.memref_slice %arg3[%add3A_9, %dma_wait3A_172] : memref<416x100000xf32, #tpu.memory_space<hbm>> -> memref<1x100000xf32, #tpu.memory_space<hbm>>
      %dma_wait3A_174 = tpu.memref_squeeze %dma_wait3A_173 : memref<1x100000xf32, #tpu.memory_space<hbm>> -> memref<100000xf32, #tpu.memory_space<hbm>>
      %dma_wait3A_175 = arith.constant 0 : i32
      %dma_wait3A_176 = tpu.memref_slice %dma_wait3A_174[%dma_wait3A_175] : memref<100000xf32, #tpu.memory_space<hbm>> -> memref<100000xf32, #tpu.memory_space<hbm>>
      tpu.wait_indirect_dma semaphore(%arg7 : memref<!tpu.dma_semaphore, #tpu.memory_space<semaphore_mem>>) src(%dma_wait3A_176 : memref<100000xf32, #tpu.memory_space<hbm>>) dst(%dma_wait3A_169 : memref<4096xf32, #tpu.memory_space<vmem>>)
      %dma_start3A_177 = arith.constant 1 : i32
      %dma_start3A_178 = arith.constant 0 : i32
      %dma_start3A_179 = tpu.memref_slice %arg6[%dma_start3A_177, %dma_start3A_178] : memref<2x4096xf32, #tpu.memory_space<vmem>> -> memref<1x4096xf32, #tpu.memory_space<vmem>>
      %dma_start3A_180 = tpu.memref_squeeze %dma_start3A_179 : memref<1x4096xf32, #tpu.memory_space<vmem>> -> memref<4096xf32, #tpu.memory_space<vmem>>
      %dma_start3A_181 = arith.constant 12288 : i32
      %dma_start3A_182 = tpu.memref_slice %arg4[%add3A_9, %dma_start3A_181] : memref<416x16384xf32, #tpu.memory_space<hbm>> -> memref<1x4096xf32, #tpu.memory_space<hbm>>
      %dma_start3A_183 = tpu.memref_squeeze %dma_start3A_182 : memref<1x4096xf32, #tpu.memory_space<hbm>> -> memref<4096xf32, #tpu.memory_space<hbm>>
      %dma_start3A_184 = arith.constant 12288 : i32
      %dma_start3A_185 = tpu.memref_slice %arg4[%add3A_9, %dma_start3A_184] : memref<416x16384xf32, #tpu.memory_space<hbm>> -> memref<1x4096xf32, #tpu.memory_space<hbm>>
      %dma_start3A_186 = tpu.memref_squeeze %dma_start3A_185 : memref<1x4096xf32, #tpu.memory_space<hbm>> -> memref<4096xf32, #tpu.memory_space<hbm>>
      %dma_start3A_187 = arith.constant 0 : i32
      %dma_start3A_188 = tpu.memref_slice %arg6[%dma_start3A_177, %dma_start3A_187] : memref<2x4096xf32, #tpu.memory_space<vmem>> -> memref<1x4096xf32, #tpu.memory_space<vmem>>
      %dma_start3A_189 = tpu.memref_squeeze %dma_start3A_188 : memref<1x4096xf32, #tpu.memory_space<vmem>> -> memref<4096xf32, #tpu.memory_space<vmem>>
      tpu.enqueue_dma source(%dma_start3A_189 : memref<4096xf32, #tpu.memory_space<vmem>>) target(%dma_start3A_186 : memref<4096xf32, #tpu.memory_space<hbm>>) target_semaphore(%arg8 : memref<!tpu.dma_semaphore, #tpu.memory_space<semaphore_mem>>)
      %dma_wait3A_190 = arith.constant 0 : i32
      %dma_wait3A_191 = arith.constant 0 : i32
      %dma_wait3A_192 = tpu.memref_slice %arg6[%dma_wait3A_190, %dma_wait3A_191] : memref<2x4096xf32, #tpu.memory_space<vmem>> -> memref<1x4096xf32, #tpu.memory_space<vmem>>
      %dma_wait3A_193 = tpu.memref_squeeze %dma_wait3A_192 : memref<1x4096xf32, #tpu.memory_space<vmem>> -> memref<4096xf32, #tpu.memory_space<vmem>>
      %dma_wait3A_194 = arith.constant 8192 : i32
      %dma_wait3A_195 = tpu.memref_slice %arg4[%add3A_9, %dma_wait3A_194] : memref<416x16384xf32, #tpu.memory_space<hbm>> -> memref<1x4096xf32, #tpu.memory_space<hbm>>
      %dma_wait3A_196 = tpu.memref_squeeze %dma_wait3A_195 : memref<1x4096xf32, #tpu.memory_space<hbm>> -> memref<4096xf32, #tpu.memory_space<hbm>>
      %dma_wait3A_197 = arith.constant 8192 : i32
      %dma_wait3A_198 = tpu.memref_slice %arg4[%add3A_9, %dma_wait3A_197] : memref<416x16384xf32, #tpu.memory_space<hbm>> -> memref<1x4096xf32, #tpu.memory_space<hbm>>
      %dma_wait3A_199 = tpu.memref_squeeze %dma_wait3A_198 : memref<1x4096xf32, #tpu.memory_space<hbm>> -> memref<4096xf32, #tpu.memory_space<hbm>>
      %dma_wait3A_200 = arith.constant 0 : i32
      %dma_wait3A_201 = tpu.memref_slice %arg6[%dma_wait3A_190, %dma_wait3A_200] : memref<2x4096xf32, #tpu.memory_space<vmem>> -> memref<1x4096xf32, #tpu.memory_space<vmem>>
      %dma_wait3A_202 = tpu.memref_squeeze %dma_wait3A_201 : memref<1x4096xf32, #tpu.memory_space<vmem>> -> memref<4096xf32, #tpu.memory_space<vmem>>
      tpu.wait_dma2 semaphore(%arg8 : memref<!tpu.dma_semaphore, #tpu.memory_space<semaphore_mem>>) src(%dma_wait3A_202 : memref<4096xf32, #tpu.memory_space<vmem>>) dst(%dma_wait3A_199 : memref<4096xf32, #tpu.memory_space<hbm>>)
      %dma_wait3A_203 = arith.constant 1 : i32
      %dma_wait3A_204 = arith.constant 0 : i32
      %dma_wait3A_205 = tpu.memref_slice %arg6[%dma_wait3A_203, %dma_wait3A_204] : memref<2x4096xf32, #tpu.memory_space<vmem>> -> memref<1x4096xf32, #tpu.memory_space<vmem>>
      %dma_wait3A_206 = tpu.memref_squeeze %dma_wait3A_205 : memref<1x4096xf32, #tpu.memory_space<vmem>> -> memref<4096xf32, #tpu.memory_space<vmem>>
      %dma_wait3A_207 = arith.constant 12288 : i32
      %dma_wait3A_208 = tpu.memref_slice %arg4[%add3A_9, %dma_wait3A_207] : memref<416x16384xf32, #tpu.memory_space<hbm>> -> memref<1x4096xf32, #tpu.memory_space<hbm>>
      %dma_wait3A_209 = tpu.memref_squeeze %dma_wait3A_208 : memref<1x4096xf32, #tpu.memory_space<hbm>> -> memref<4096xf32, #tpu.memory_space<hbm>>
      %dma_wait3A_210 = arith.constant 12288 : i32
      %dma_wait3A_211 = tpu.memref_slice %arg4[%add3A_9, %dma_wait3A_210] : memref<416x16384xf32, #tpu.memory_space<hbm>> -> memref<1x4096xf32, #tpu.memory_space<hbm>>
      %dma_wait3A_212 = tpu.memref_squeeze %dma_wait3A_211 : memref<1x4096xf32, #tpu.memory_space<hbm>> -> memref<4096xf32, #tpu.memory_space<hbm>>
      %dma_wait3A_213 = arith.constant 0 : i32
      %dma_wait3A_214 = tpu.memref_slice %arg6[%dma_wait3A_203, %dma_wait3A_213] : memref<2x4096xf32, #tpu.memory_space<vmem>> -> memref<1x4096xf32, #tpu.memory_space<vmem>>
      %dma_wait3A_215 = tpu.memref_squeeze %dma_wait3A_214 : memref<1x4096xf32, #tpu.memory_space<vmem>> -> memref<4096xf32, #tpu.memory_space<vmem>>
      tpu.wait_dma2 semaphore(%arg8 : memref<!tpu.dma_semaphore, #tpu.memory_space<semaphore_mem>>) src(%dma_wait3A_215 : memref<4096xf32, #tpu.memory_space<vmem>>) dst(%dma_wait3A_212 : memref<4096xf32, #tpu.memory_space<hbm>>)
    }
    %scan3A_5 = arith.constant 13 : i32
    return
  }
}

</mosaic_0001>

<sc_bundles>
// kernel: _ser_one.3.cloned.1.call-start
scs
__scs_entry_jumppad:
0x0: {  	(pc) =	sbr.rel $0x88, $3  }
0x1: {  	(tag) =	ssettag $0x0;
	lr =	simm.s32 $0x1  }
0x2: {  	[smem:$0x3F9F] =	sst lr;
	_ =	strace $0xD0000000  }
0x3: {  	_ = 	snop  }
0x4: {  	_ = 	snop  }
0x5: {  	_ = 	snop  }
0x6: {  	_ = 	snop  }
0x7: {  	_ = 	snop  }
__scs_overlays_trampoline_lowered:
0x8: {  	[smem:$0x3FAE] =	sst s0  }
0x9: {  	[smem:$0x3FAF] =	sst s1  }
0xa: {  	[smem:$0x3FB0] =	sst s2  }
0xb: {  	[smem:$0x3FB1] =	sst s3  }
0xc: {  	[smem:$0x3FB2] =	sst s4  }
0xd: {  	[smem:$0x3FB3] =	sst s5  }
0xe: {  	[smem:$0x3FB4] =	sst s6  }
0xf: {  	[smem:$0x3FB5] =	sst s7  }
0x10: {  	[smem:$0x3FB6] =	sst s8  }
0x11: {  	[smem:$0x3FB7] =	sst s9;
	s0 =	simm.s32 @!p0 $0x0  }
0x12: {  	s1 =	sld [smem:$0x3F9D];
	s0 =	simm.s32 @p0 $0x1  }
0x13: {  	[smem:$0x3FB8] =	sst s0;
	s0 =	simm.s32 @!p1 $0x0  }
0x14: {  	s2 =	sld [smem:$0x3F9C];
	s0 =	simm.s32 @p1 $0x1  }
0x15: {  	[smem:$0x3FB9] =	sst s0;
	s0 =	simm.s32 @!p2 $0x0  }
0x16: {  	s3 =	sld [smem:$0x3FDB];
	s0 =	simm.s32 @p2 $0x1  }
0x17: {  	s4 =	simm.s32 $0x1BF5;
	[smem:$0x3FBB] =	sst s0  }
0x18: {  	s0 =	sld [smem:$0x3F9E];
	_ =	swait.ge [sflag:s4], $0x0  }
0x19: {  	s7 =	sld [smem:$0x3F9F]  }
0x1a: {  	s8 =	sadd.s32 $0xFFFFE003, lr  }
0x1b: {  	s9 =	sadd.s32 $0xFFFFFEF7, lr;
	s5 =	simm.s32 $0xFFFFFFFF;
	p2 =	slt.u32 s8, $0xFFFFF086  }
0x1c: {  	p1 =	slt.u32 s9, $0xF7A;
	s5 =	simm.s32 @!p2 $0x0  }
0x1d: {  	s5 =	simm.s32 @p1 $0x1;
	p0 =	seq.s32 s7, s2  }
0x1e: {  	s7 =	smul.u32 @!p0 $0xF7A, s2;
	p2 =	seq.s32 @!p0 s5, $0x0  }
0x1f: {  	s9 =	smul.u32 $0xF7A, s1;
	s8 =	simm.s32 @!p0 $0x1BF5;
	p2 =	por !p2, p0  }
0x20: {  	[sflag:s8] =	ssyncset.s32 @!p0 $0xFFFFF086;
	s6 =	sadd.s32 @!p0 s3, s7;
	s7 =	simm.s32 @!p0 $0x108  }
0x21: {  	s3 =	sadd.s32 s3, s9;
	s6 =	sadd.s32 @!p0 $0x88, s6;
	s7 =	simm.s32 @p2 $0x1082  }
0x22: {  	[simem:s7], [sflag:s8] =	dma.local @!p0 [hbm:s6], $0xF7A  }
0x23: {  	s9 =	sor.u32 $0xD0000000, s2;
	s6 =	simm.s32 $0x108;
	_ =	swait.ge @!p0 [sflag:s8], $0x0  }
0x24: {  	s3 =	sadd.s32 $0x88, s3;
	s6 =	simm.s32 @!p1 $0x1082;
	[sflag:s4] =	ssyncset.s32 $0xFFFFF086  }
0x25: {  	[simem:s6], [sflag:s4] =	dma.local [hbm:s3], $0xF7A  }
0x26: {  	[smem:$0x3F9F] =	sst s1;
	(tag) =	ssettag s2;
	_ =	strace s9  }
0x27: {  	s1 =	sld [smem:$0x3FAF]  }
0x28: {  	s2 =	sld [smem:$0x3FB0]  }
0x29: {  	s4 =	sld [smem:$0x3FB2]  }
0x2a: {  	p0 =	seq.s32 s5, $0x0;
	s5 =	sld [smem:$0x3FB3]  }
0x2b: {  	s6 =	sld [smem:$0x3FB4]  }
0x2c: {  	s7 =	sld [smem:$0x3FB5]  }
0x2d: {  	s3 =	simm.s32 $0x108;
	s8 =	sld [smem:$0x3FB6]  }
0x2e: {  	s3 =	simm.s32 @!p0 $0x1082;
	s9 =	sld [smem:$0x3FB7]  }
0x2f: {  	lr =	sadd.s32 s0, s3;
	s0 =	sld [smem:$0x3FAE]  }
0x30: {  	s3 =	sld [smem:$0x3FB1]  }
0x31: {  	[smem:$0x3FBA] =	sst s10  }
0x32: {  	s10 =	sld [smem:$0x3FB8];
	_ =	sdelay $0x3  }
0x33: {  	p0 =	seq.s32 s10, $0x1;
	s10 =	sld [smem:$0x3FBA];
	_ =	sdelay $0x3  }
0x34: {  	[smem:$0x3FBA] =	sst s10  }
0x35: {  	s10 =	sld [smem:$0x3FB9];
	_ =	sdelay $0x3  }
0x36: {  	p1 =	seq.s32 s10, $0x1;
	s10 =	sld [smem:$0x3FBA];
	_ =	sdelay $0x3  }
0x37: {  	[smem:$0x3FBA] =	sst s10  }
0x38: {  	s10 =	sld [smem:$0x3FBB]  }
0x39: {  	_ = 	snop;
	(pc) =	sbr.ind lr, $3  }
0x3a: {  	_ = 	snop  }
0x3b: {  	_ = 	snop  }
0x3c: {  	p2 =	seq.s32 s10, $0x1;
	s10 =	sld [smem:$0x3FBA]  }
0x3d: {  	_ =	shalt  }
0x3e: {  	_ =	shalt  }
0x3f: {  	_ =	shalt  }
0x40: {  	_ =	shalt  }
0x41: {  	_ =	shalt  }
0x42: {  	_ =	shalt  }
0x43: {  	_ =	shalt  }
0x44: {  	_ =	shalt  }
0x45: {  	_ =	shalt  }
0x46: {  	_ =	shalt  }
0x47: {  	_ =	shalt  }
0x48: {  	_ =	shalt  }
0x49: {  	_ =	shalt  }
0x4a: {  	_ =	shalt  }
0x4b: {  	_ =	shalt  }
0x4c: {  	_ =	shalt  }
0x4d: {  	_ =	shalt  }
0x4e: {  	_ =	shalt  }
0x4f: {  	_ =	shalt  }
0x50: {  	_ =	shalt  }
0x51: {  	_ =	shalt  }
0x52: {  	_ =	shalt  }
0x53: {  	_ =	shalt  }
0x54: {  	_ =	shalt  }
0x55: {  	_ =	shalt  }
0x56: {  	_ =	shalt  }
0x57: {  	_ =	shalt  }
0x58: {  	_ =	shalt  }
0x59: {  	_ =	shalt  }
0x5a: {  	_ =	shalt  }
0x5b: {  	_ =	shalt  }
0x5c: {  	_ =	shalt  }
0x5d: {  	_ =	shalt  }
0x5e: {  	_ =	shalt  }
0x5f: {  	_ =	shalt  }
0x60: {  	_ =	shalt  }
0x61: {  	_ =	shalt  }
0x62: {  	_ =	shalt  }
0x63: {  	_ =	shalt  }
0x64: {  	_ =	shalt  }
0x65: {  	_ =	shalt  }
0x66: {  	_ =	shalt  }
0x67: {  	_ =	shalt  }
0x68: {  	_ =	shalt  }
0x69: {  	_ =	shalt  }
0x6a: {  	_ =	shalt  }
0x6b: {  	_ =	shalt  }
0x6c: {  	_ =	shalt  }
0x6d: {  	_ =	shalt  }
0x6e: {  	_ =	shalt  }
0x6f: {  	_ =	shalt  }
0x70: {  	_ =	shalt  }
0x71: {  	_ =	shalt  }
0x72: {  	_ =	shalt  }
0x73: {  	_ =	shalt  }
0x74: {  	_ =	shalt  }
0x75: {  	_ =	shalt  }
0x76: {  	_ =	shalt  }
0x77: {  	_ =	shalt  }
0x78: {  	_ =	shalt  }
0x79: {  	_ =	shalt  }
0x7a: {  	_ =	shalt  }
0x7b: {  	_ =	shalt  }
0x7c: {  	_ =	shalt  }
0x7d: {  	_ =	shalt  }
0x7e: {  	_ =	shalt  }
0x7f: {  	_ =	shalt  }
0x80: {  	_ =	shalt  }
0x81: {  	_ =	shalt  }
0x82: {  	_ =	shalt  }
0x83: {  	_ =	shalt  }
0x84: {  	_ =	shalt  }
0x85: {  	_ =	shalt  }
0x86: {  	_ =	shalt  }
0x87: {  	_ =	shalt  }
.Lfunc_end0:
.L_simem_size_0:
called_computation_lowered:
.L_overlay_start_0:
0x88: {  	s2 =	sld [smem:$0x3FD9]  }
0x89: {  	s3 =	sld [smem:$0x3FFE];
	_ =	sdelay $0x1  }
0x8a: {  	s1 =	srdreg.scid  }
0x8b: {  	s0 =	sand.u32 $0x1, s1  }
0x8c: {  	s17 =	sshll.u32 s0, $0xA;
	s2 =	sadd.s32 s3, s2  }
0x8d: {  	s2 =	sadd.s32 s2, s17  }
0x8e: {  	[smem:$0x3FC6] =	sst s2  }
0x8f: {  	_ = 	snop  }
0x90: {  	s2 =	sld [smem:$0x3FD0];
	(tm) =	ssettm $0x1  }
0x91: {  	s18 =	sld [smem:$0x3FFB];
	_ =	sdelay $0x3  }
0x92: {  	_ =	strace s18  }
0x93: {  	s3 =	sld [smem:$0x3FFC];
	_ =	sdelay $0x3  }
0x94: {  	_ =	strace s3  }
0x95: {  	s3 =	sld [smem:$0x3FFD];
	_ =	sdelay $0x3  }
0x96: {  	_ =	strace s3  }
0x97: {  	_ =	strace $0x8FFFFFFF  }
0x98: {  	s19 =	sld [smem:$0x3FDB];
	_ =	sdelay $0x1  }
0x99: {  	s4 =	simm.s32 $_scs_section_size  }
0x9a: {  	s5 =	simm.s32 $_size__tile_overlayer_lowered;
	s6 =	simm.s32 $_tile_overlayer_lowered  }
0x9b: {  	s22 =	simm.s32 $0x1BFF;
	s21 =	sshll.u32 s6, $0x1;
	s3 =	sadd.s32 s4, s19  }
0x9c: {  	s7 =	simm.s32 $0x0;
	s20 =	sshll.u32 s5, $0x1;
	s5 =	sadd.s32 s21, s3  }
0x9d: {  	[timem:s7], [sflag:s22] =	dma.local [hbm:s5], s20  }
0x9e: {  	_ =	swait.ge [sflag:s22], s20  }
0x9f: {  	s4 =	ssub.s32 $0x0, s20;
	[sflag:s22] =	ssyncset.done $0x0  }
0xa0: {  	[sflag:s22] =	ssyncadd.s32 s4;
	_ =	sdelay $0x1  }
0xa1: {  	s23 =	simm.s32 $0x1B8B  }
0xa2: {  	_ =	swait.ge [sflag:s23], $0x1  }
0xa3: {  	[sflag:s23] =	ssyncset.done $0x0  }
0xa4: {  	s25 =	simm.s32 $0x1B8E;
	s24 =	sld [smem:$0x3FFE];
	[sflag:s23] =	ssyncadd.s32 $0xFFFFFFFF  }
0xa5: {  	s26 =	simm.s32 $execute0_lowered;
	[smem:$0x3FD2] =	sst s25  }
0xa6: {  	s5 =	sshll.u32 s26, $0x1;
	_ =	strace $0x80000046;
	[dreg:$0x1] =	wrdreg $0xFFFFFFFF  }
0xa7: {  	s28 =	simm.s32 $_size_execute0_lowered;
	s3 =	sadd.s32 s3, s5;
	[dreg:$0x0] =	wrdreg $0x0  }
0xa8: {  	s5 =	sshll.u32 s28, $0x1;
	[dreg:$0x2] =	wrdreg s3  }
0xa9: {  	[dreg:$0x3] =	wrdreg s5  }
0xaa: {  	[dreg:$0x4] =	wrdreg $0xC0  }
0xab: {  	_ =	task [dreg:s7], $0x5FFFF  }
0xac: {  	[dreg:$0x1] =	wrdreg $0xFFFFFFFF  }
0xad: {  	[dreg:$0x0] =	wrdreg $0x60  }
0xae: {  	[dreg:$0x2] =	wrdreg s2  }
0xaf: {  	[dreg:$0x3] =	wrdreg s24  }
0xb0: {  	[dreg:$0x4] =	wrdreg $0x9  }
0xb1: {  	_ =	task.clear_ibuf [dreg:s7], $0x5FFFF;
	_ =	strace $0x90000046  }
0xb2: {  	s29 =	simm.s32 $0x9;
	_ =	strace $0x80000048  }
0xb3: {  	_ =	swait.ge [sflag:s29], $0x1  }
0xb4: {  	[sflag:s29] =	ssyncadd.s32 $0xFFFFFFFF  }
0xb5: {  	_ =	strace $0x90000048  }
0xb6: {  	_ =	sfence  }
0xb7: {  	s30 =	sld [smem:$0x0];
	_ =	sdelay $0x2  }
0xb8: {  	s31 =	sshll.u32 s1, $0xD;
	s1 =	sshrl.u32 s1, $0x2  }
0xb9: {  	s3 =	sand.u32 $0x4000, s31;
	s1 =	sadd.s32 s1, s30  }
0xba: {  	s0 =	sor.u32 s3, s0;
	s1 =	sshll.u32 s1, $0x11  }
0xbb: {  	s0 =	sor.u32 s1, s0  }
0xbc: {  	s0 =	sadd.s32 $0x8F2B, s0  }
0xbd: {  	[sflag:s0] =	ssyncadd.remote.s32 $0x1  }
0xbe: {  	_ =	sfence.sel $0xFFFF  }
0xbf: {  	[dreg:$0x0] =	wrdreg $0xFFFFFFFF;
	(pc) =	sbr.abs _section_cstart, $3  }
0xc0: {  	[dreg:$0x1] =	wrdreg $0xFFFFFFFF  }
0xc1: {  	_ =	task.clear_ibuf [dreg:s7], $0x2FFFF;
	_ =	strace $0x9FFFFFFF  }
0xc2: {  	(tm) =	ssettm $0x7FFFFFFF  }
0xc3: {  	_ =	shalt  }
tec
execute0_lowered:
.L_overlay_start_1:
0x0: {  	(tag) =	ssettag $0x1  }
0x1: {  	s2 =	rddreg [dreg:$0x0]  }
0x2: {  	s4 =	rddreg [dreg:$0x1];
	s1 =	stileid.u32  }
0x3: {  	s0 =	rddreg [dreg:$0x2];
	s5 =	smul.u32 $0x4F588, s1  }
0x4: {  	s6 =	srdreg.scid;
	s3 =	simm.s32 $0x0;
	s7 =	smul.u32 $0xD000, s1  }
0x5: {  	s13 =	simm.s32 $0x2;
	s6 =	sand.u32 $0x1, s6;
	s10 =	smul.u32 $0xD00, s1  }
0x6: {  	s14 =	simm.s32 $0x2000;
	s15 =	simm.s32 $0x3000;
	s8 =	smul.u32 $0x27AC4, s6  }
0x7: {  	s16 =	simm.s32 $0x0;
	[smem:$0x7FF] =	sst s3;
	s12 =	smul.u32 $0x6800, s6  }
0x8: {  	_ =	strace $0x80000047;
	s9 =	ssub.s32 $0x2, s6;
	s6 =	smul.u32 $0x680, s6  }
0x9: {  	s5 =	sadd.s32 s5, s4;
	s11 =	sshrl.u32 s9, $0x1;
	s7 =	sadd.s32 s7, s4  }
0xa: {  	s31 =	ssub.s32 s9, s11;
	s5 =	sadd.s32 s8, s5;
	s7 =	sadd.s32 s12, s7  }
0xb: {  	s6 =	sadd.s32 s6, s10;
	s8 =	simm.s32 $0x3;
	s9 =	simm.s32 $0x1000  }
0xc: {  	s10 =	simm.s32 $0x4000;
	s11 =	simm.s32 $0x1;
	s12 =	simm.s32 $0x5000  }
0xd: {  	s4 =	smax.u32 s31, $0x1;
	s5 =	sadd.s32 $0x400, s5;
	s7 =	sadd.s32 $0x4F5E00, s7  }
.LBB2_1:
0xe: {  	s17 =	sand.u32 $0x1FFFF800, s6  }
0xf: {  	s17 =	sadd.s32 s2, s17  }
0x10: {  	[tilespmem:s3], [sflag:$0x3] =	stream.linear.gather [hbm4b:s17+s3], $0x4000, $0x38;
	[tilespmem:$0x6000] =	vst v63  }
0x11: {  	_ =	swait.ge [sflag:s8], $0x4000  }
0x12: {  	[sflag:s8] =	ssyncset.done $0x0  }
0x13: {  	[sflag:s8] =	ssyncadd.s32 $0xFFFFC000  }
0x14: {  	[tilespmem:s10], [sflag:$0x1] =	stream.indirect.gather [hbm4b:s5+s9], $0x1, s3, s9, $0xb8;
	[tilespmem:$0x6000] =	vst v63  }
0x15: {  	_ =	swait.ge [sflag:s11], $0x1000  }
0x16: {  	[sflag:s11] =	ssyncset.done $0x0  }
0x17: {  	s30 =	sadd.s32 $0x0, s7;
	[sflag:s11] =	ssyncadd.s32 $0xFFFFF000  }
0x18: {  	[hbm4b:s30+s3] =	stream.linear.scatter [tilespmem:s10], [sflag:$0x2], $0x1000, $0x38;
	[tilespmem:$0x6000] =	vst v63  }
0x19: {  	_ = 	snop  }
0x1a: {  	[tilespmem:s12], [sflag:$0x1] =	stream.indirect.gather [hbm4b:s5+s9], $0x1, s9, s9, $0xb8;
	[tilespmem:$0x6000] =	vst v63  }
0x1b: {  	_ =	swait.ge [sflag:s11], $0x1000  }
0x1c: {  	[sflag:s11] =	ssyncset.done $0x0  }
0x1d: {  	s18 =	sadd.s32 $0x200, s30;
	[sflag:s11] =	ssyncadd.s32 $0xFFFFF000  }
0x1e: {  	[hbm4b:s18+s3] =	stream.linear.scatter [tilespmem:s12], [sflag:$0x2], $0x1000, $0x38;
	[tilespmem:$0x6000] =	vst v63  }
0x1f: {  	_ =	swait.ge [sflag:s13], $0x1000  }
0x20: {  	[sflag:s13] =	ssyncset.done $0x0  }
0x21: {  	[sflag:s13] =	ssyncadd.s32 $0xFFFFF000  }
0x22: {  	[tilespmem:s10], [sflag:$0x1] =	stream.indirect.gather [hbm4b:s5+s9], $0x1, s14, s9, $0xb8;
	[tilespmem:$0x6000] =	vst v63  }
0x23: {  	_ =	swait.ge [sflag:s11], $0x1000  }
0x24: {  	[sflag:s11] =	ssyncset.done $0x0  }
0x25: {  	s31 =	sadd.s32 $0x400, s30;
	[sflag:s11] =	ssyncadd.s32 $0xFFFFF000  }
0x26: {  	[hbm4b:s31+s3] =	stream.linear.scatter [tilespmem:s10], [sflag:$0x2], $0x1000, $0x38;
	[tilespmem:$0x6000] =	vst v63  }
0x27: {  	_ =	swait.ge [sflag:s13], $0x1000  }
0x28: {  	[sflag:s13] =	ssyncset.done $0x0  }
0x29: {  	[sflag:s13] =	ssyncadd.s32 $0xFFFFF000  }
0x2a: {  	[tilespmem:s12], [sflag:$0x1] =	stream.indirect.gather [hbm4b:s5+s9], $0x1, s15, s9, $0xb8;
	[tilespmem:$0x6000] =	vst v63  }
0x2b: {  	_ =	swait.ge [sflag:s11], $0x1000  }
0x2c: {  	[sflag:s11] =	ssyncset.done $0x0  }
0x2d: {  	s17 =	sadd.s32 $0x600, s30;
	[sflag:s11] =	ssyncadd.s32 $0xFFFFF000  }
0x2e: {  	[hbm4b:s17+s3] =	stream.linear.scatter [tilespmem:s12], [sflag:$0x2], $0x1000, $0x38;
	[tilespmem:$0x6000] =	vst v63  }
0x2f: {  	_ =	swait.ge [sflag:s13], $0x1000  }
0x30: {  	[sflag:s13] =	ssyncset.done $0x0  }
0x31: {  	s19 =	sadd.s32 $0x80, s6;
	[sflag:s13] =	ssyncadd.s32 $0xFFFFF000  }
0x32: {  	s20 =	simm.s32 $0x1000;
	s21 =	sand.u32 $0x1FFFF800, s19;
	_ =	swait.ge [sflag:s13], $0x1000  }
0x33: {  	s18 =	smov.u32 s5;
	s17 =	simm.s32 $0x800;
	[sflag:s13] =	ssyncset.done $0x0  }
.LBB2_2:
0x34: {  	s21 =	sadd.s32 s2, s21  }
0x35: {  	[sflag:s13] =	ssyncadd.s32 $0xFFFFF000;
	s18 =	sadd.s32 $0x30D4, s18;
	s22 =	smov.u32 s20  }
0x36: {  	[tilespmem:s3], [sflag:$0x3] =	stream.linear.gather [hbm4b:s21+s3], $0x4000, $0x38;
	[tilespmem:$0x6000] =	vst v63  }
0x37: {  	p0 =	sne.s32 s20, $0x6000;
	s20 =	sadd.s32 $0x800, s20;
	_ =	swait.ge [sflag:s8], $0x4000  }
0x38: {  	[sflag:s8] =	ssyncset.done $0x0  }
0x39: {  	[sflag:s8] =	ssyncadd.s32 $0xFFFFC000  }
0x3a: {  	[tilespmem:s10], [sflag:$0x1] =	stream.indirect.gather [hbm4b:s18+s9], $0x1, s3, s9, $0xb8;
	[tilespmem:$0x6000] =	vst v63  }
0x3b: {  	_ =	swait.ge [sflag:s11], $0x1000  }
0x3c: {  	[sflag:s11] =	ssyncset.done $0x0  }
0x3d: {  	s21 =	sadd.s32 s17, s7;
	s17 =	smov.u32 s22;
	[sflag:s11] =	ssyncadd.s32 $0xFFFFF000  }
0x3e: {  	[hbm4b:s21+s3] =	stream.linear.scatter [tilespmem:s10], [sflag:$0x2], $0x1000, $0x38;
	[tilespmem:$0x6000] =	vst v63  }
0x3f: {  	_ = 	snop  }
0x40: {  	[tilespmem:s12], [sflag:$0x1] =	stream.indirect.gather [hbm4b:s18+s9], $0x1, s9, s9, $0xb8;
	[tilespmem:$0x6000] =	vst v63  }
0x41: {  	_ =	swait.ge [sflag:s11], $0x1000  }
0x42: {  	[sflag:s11] =	ssyncset.done $0x0  }
0x43: {  	s22 =	sadd.s32 $0x200, s21;
	[sflag:s11] =	ssyncadd.s32 $0xFFFFF000  }
0x44: {  	[hbm4b:s22+s3] =	stream.linear.scatter [tilespmem:s12], [sflag:$0x2], $0x1000, $0x38;
	[tilespmem:$0x6000] =	vst v63  }
0x45: {  	_ =	swait.ge [sflag:s13], $0x1000  }
0x46: {  	[sflag:s13] =	ssyncset.done $0x0  }
0x47: {  	[sflag:s13] =	ssyncadd.s32 $0xFFFFF000  }
0x48: {  	[tilespmem:s10], [sflag:$0x1] =	stream.indirect.gather [hbm4b:s18+s9], $0x1, s14, s9, $0xb8;
	[tilespmem:$0x6000] =	vst v63  }
0x49: {  	_ =	swait.ge [sflag:s11], $0x1000  }
0x4a: {  	[sflag:s11] =	ssyncset.done $0x0  }
0x4b: {  	s22 =	sadd.s32 $0x400, s21;
	[sflag:s11] =	ssyncadd.s32 $0xFFFFF000  }
0x4c: {  	[hbm4b:s22+s3] =	stream.linear.scatter [tilespmem:s10], [sflag:$0x2], $0x1000, $0x38;
	[tilespmem:$0x6000] =	vst v63  }
0x4d: {  	_ =	swait.ge [sflag:s13], $0x1000  }
0x4e: {  	[sflag:s13] =	ssyncset.done $0x0  }
0x4f: {  	[sflag:s13] =	ssyncadd.s32 $0xFFFFF000  }
0x50: {  	[tilespmem:s12], [sflag:$0x1] =	stream.indirect.gather [hbm4b:s18+s9], $0x1, s15, s9, $0xb8;
	[tilespmem:$0x6000] =	vst v63  }
0x51: {  	_ =	swait.ge [sflag:s11], $0x1000  }
0x52: {  	[sflag:s11] =	ssyncset.done $0x0  }
0x53: {  	s21 =	sadd.s32 $0x600, s21;
	[sflag:s11] =	ssyncadd.s32 $0xFFFFF000  }
0x54: {  	[hbm4b:s21+s3] =	stream.linear.scatter [tilespmem:s12], [sflag:$0x2], $0x1000, $0x38;
	[tilespmem:$0x6000] =	vst v63  }
.Ltmp0:
0x55: {  	_ =	swait.ge [sflag:s13], $0x1000;
	(pc) =	sbr.rel @p0 .LBB2_2-.Ltmp0, $4  }
0x56: {  	[sflag:s13] =	ssyncset.done $0x0  }
0x57: {  	[sflag:s13] =	ssyncadd.s32 $0xFFFFF000  }
0x58: {  	s19 =	sadd.s32 $0x80, s19;
	_ =	swait.ge [sflag:s13], $0x1000  }
0x59: {  	s21 =	sand.u32 $0x1FFFF800, s19;
	[sflag:s13] =	ssyncset.done $0x0  }
0x5a: {  	s19 =	sadd.s32 s2, s21;
	[sflag:s13] =	ssyncadd.s32 $0xFFFFF000  }
0x5b: {  	[tilespmem:s3], [sflag:$0x3] =	stream.linear.gather [hbm4b:s19+s3], $0x4000, $0x38;
	[tilespmem:$0x6000] =	vst v63  }
0x5c: {  	_ =	swait.ge [sflag:s8], $0x4000  }
0x5d: {  	[sflag:s8] =	ssyncset.done $0x0  }
0x5e: {  	s18 =	sadd.s32 $0x30D4, s18;
	[sflag:s8] =	ssyncadd.s32 $0xFFFFC000  }
0x5f: {  	[tilespmem:s10], [sflag:$0x1] =	stream.indirect.gather [hbm4b:s18+s9], $0x1, s3, s9, $0xb8;
	[tilespmem:$0x6000] =	vst v63  }
0x60: {  	_ =	swait.ge [sflag:s11], $0x1000  }
0x61: {  	[sflag:s11] =	ssyncset.done $0x0  }
0x62: {  	s17 =	sadd.s32 s17, s7;
	[sflag:s11] =	ssyncadd.s32 $0xFFFFF000  }
0x63: {  	[hbm4b:s17+s3] =	stream.linear.scatter [tilespmem:s10], [sflag:$0x2], $0x1000, $0x38;
	[tilespmem:$0x6000] =	vst v63  }
0x64: {  	_ = 	snop  }
0x65: {  	[tilespmem:s12], [sflag:$0x1] =	stream.indirect.gather [hbm4b:s18+s9], $0x1, s9, s9, $0xb8;
	[tilespmem:$0x6000] =	vst v63  }
0x66: {  	_ =	swait.ge [sflag:s11], $0x1000  }
0x67: {  	[sflag:s11] =	ssyncset.done $0x0  }
0x68: {  	s30 =	sadd.s32 $0x200, s17;
	[sflag:s11] =	ssyncadd.s32 $0xFFFFF000  }
0x69: {  	[hbm4b:s30+s3] =	stream.linear.scatter [tilespmem:s12], [sflag:$0x2], $0x1000, $0x38;
	[tilespmem:$0x6000] =	vst v63  }
0x6a: {  	_ =	swait.ge [sflag:s13], $0x1000  }
0x6b: {  	[sflag:s13] =	ssyncset.done $0x0  }
0x6c: {  	[sflag:s13] =	ssyncadd.s32 $0xFFFFF000  }
0x6d: {  	[tilespmem:s10], [sflag:$0x1] =	stream.indirect.gather [hbm4b:s18+s9], $0x1, s14, s9, $0xb8;
	[tilespmem:$0x6000] =	vst v63  }
0x6e: {  	_ =	swait.ge [sflag:s11], $0x1000  }
0x6f: {  	[sflag:s11] =	ssyncset.done $0x0  }
0x70: {  	s31 =	sadd.s32 $0x400, s17;
	[sflag:s11] =	ssyncadd.s32 $0xFFFFF000  }
0x71: {  	[hbm4b:s31+s3] =	stream.linear.scatter [tilespmem:s10], [sflag:$0x2], $0x1000, $0x38;
	[tilespmem:$0x6000] =	vst v63  }
0x72: {  	_ =	swait.ge [sflag:s13], $0x1000  }
0x73: {  	[sflag:s13] =	ssyncset.done $0x0  }
0x74: {  	[sflag:s13] =	ssyncadd.s32 $0xFFFFF000  }
0x75: {  	[tilespmem:s12], [sflag:$0x1] =	stream.indirect.gather [hbm4b:s18+s9], $0x1, s15, s9, $0xb8;
	[tilespmem:$0x6000] =	vst v63  }
0x76: {  	_ =	swait.ge [sflag:s11], $0x1000  }
0x77: {  	[sflag:s11] =	ssyncset.done $0x0  }
0x78: {  	s16 =	sadd.s32 $0x1, s16;
	s17 =	sadd.s32 $0x600, s17;
	[sflag:s11] =	ssyncadd.s32 $0xFFFFF000  }
0x79: {  	[hbm4b:s17+s3] =	stream.linear.scatter [tilespmem:s12], [sflag:$0x2], $0x1000, $0x38;
	[tilespmem:$0x6000] =	vst v63  }
0x7a: {  	p0 =	sne.s32 s16, s4;
	_ =	swait.ge [sflag:s13], $0x1000  }
.Ltmp1:
0x7b: {  	[sflag:s13] =	ssyncset.done $0x0;
	(pc) =	sbr.rel @p0 .LBB2_1-.Ltmp1, $4  }
0x7c: {  	[sflag:s13] =	ssyncadd.s32 $0xFFFFF000  }
0x7d: {  	_ =	swait.ge [sflag:s13], $0x1000  }
0x7e: {  	[sflag:s13] =	ssyncset.done $0x0  }
0x7f: {  	[sflag:s13] =	ssyncadd.s32 $0xFFFFF000  }
0x80: {  	_ =	sfence.sel $0x180000  }
0x81: {  	[bflag:$0x0] =	sbarrier.arrive $0xFFFF  }
0x82: {  	p0 =	sne.s32 s1, $0x0;
	_ =	strace $0x90000047  }
0x83: {  	s0 =	sadd.s32 @!p0 $0x100000, s0;
	[bflag:$0x2] =	sbarrier.arrive $0xFFFF  }
0x84: {  	[sflag:s0] =	ssyncadd.tile.s32 @!p0 $0x1;
	_ =	shalt  }
.Lfunc_end2:
_tile_overlayer_lowered:
.L_overlay_start_2:
0x85: {  	(tag) =	ssettag $0x2  }
0x86: {  	s0 =	rddreg [dreg:$0x0];
	s2 =	stileid.u32  }
0x87: {  	s1 =	rddreg [dreg:$0x1];
	p0 =	sne.s32 s2, $0x0  }
0x88: {  	s3 =	rddreg [dreg:$0x2];
	[bflag:$0x3] =	sbarrier.arrive $0xFFFF;
	s2 =	simm.s32 @!p0 $0x1C03  }
0x89: {  	[timem:s3], [sflag:s2] =	dma.local @!p0 [hbm:s0], s1  }
0x8a: {  	s0 =	simm.s32 @!p0 $0x3  }
0x8b: {  	_ =	swait.ge @!p0 [sflag:s0], s1  }
0x8c: {  	s1 =	ssub.s32 @!p0 $0x0, s1;
	[sflag:s0] =	ssyncset.done @!p0 $0x0  }
0x8d: {  	[sflag:s0] =	ssyncadd.s32 @!p0 s1  }
0x8e: {  	[bflag:$0x3] =	sbarrier.arrive $0xFFFF  }
0x8f: {  	_ =	shalt  }

</sc_bundles>
